<compile_context>
chip_gen: v7x
topology: tpu7x:2x2x1
jax: 0.10.2.dev20260603
libtpu: 0.0.44.dev20260713+nightly
codegen_flags: <defaults>
</compile_context>

<pallas_src>
import jax
import jax.numpy as jnp
from jax.experimental import pallas as pl
from jax.experimental.pallas import tpu as pltpu
from jax.experimental.pallas import tpu_sc as plsc
from functools import partial

_B = 32
_D = 256
_N = 576
_K = 1024


_BPS = 2


def _vq_body(x_ref, cb_ref, idx_ref):
    cb = cb_ref[...]
    cbnorm = jnp.sum(cb * cb, axis=1, keepdims=True)
    dn = (((1,), (0,)), ((), ()))

    for i in range(_BPS):
        x = x_ref[i]
        scores = jax.lax.dot_general(
            cb, x, dn,
            precision=jax.lax.Precision.DEFAULT,
            preferred_element_type=jnp.float32,
        )
        xx = x * x
        pair = xx[0:128, :] + xx[128:256, :]
        znorm_col = jnp.sum(pair.T, axis=1, keepdims=True)
        znorm = znorm_col.T
        dist = (znorm - 2.0 * scores) + cbnorm
        m = jnp.min(dist, axis=0, keepdims=True)
        kiota = jax.lax.broadcasted_iota(jnp.int32, (_K, _N), 0)
        idx = jnp.min(jnp.where(dist == m, kiota, _K), axis=0).astype(jnp.int32)
        idx_ref[i, 0, :] = idx




@partial(jax.jit, static_argnames=())
def kernel(input, codebook):
    B, D = input.shape[0], input.shape[1]
    spatial = input.shape[2:]
    x = input.reshape(B, D, -1)
    cbt = codebook.T
    cbt_hi = cbt.astype(jnp.bfloat16)

    idx = pl.pallas_call(
        _vq_body,
        grid=(B // _BPS,),
        in_specs=[
            pl.BlockSpec((_BPS, _D, _N), lambda b: (b, 0, 0)),
            pl.BlockSpec((_K, _D), lambda b: (0, 0)),
        ],
        out_specs=[
            pl.BlockSpec((_BPS, 1, _N), lambda b: (b, 0, 0)),
        ],
        out_shape=[
            jax.ShapeDtypeStruct((B, 1, _N), jnp.int32),
        ],
    )(x, codebook)[0]

    flat_idx = idx.reshape(1, B * _N)
    gathered = _sc_gather(codebook, flat_idx)

    quantized = (gathered.reshape(B, _N, D)
                 .transpose(0, 2, 1)
                 .reshape(input.shape))
    idx_out = idx.reshape((B,) + spatial)
    return quantized, idx_out


_GW = 128


def _sc_gather(cb, indices):
    vector_mesh = plsc.VectorSubcoreMesh(
        core_axis_name="core", subcore_axis_name="subcore")
    n_idx = indices.shape[1]

    @partial(pl.kernel,
             out_type=jax.ShapeDtypeStruct((n_idx, cb.shape[1]), cb.dtype),
             mesh=vector_mesh)
    def kern(x_hbm, i_hbm, o_hbm):
        def body(i_vmem, o_vmem):
            pltpu.sync_copy(x_hbm.at[i_vmem.at[0]], o_vmem)

        pltpu.emit_pipeline(
            body,
            grid=(n_idx // _GW,),
            in_specs=[pl.BlockSpec((1, _GW), index_map=lambda i: (0, i))],
            out_specs=[pl.BlockSpec((_GW, cb.shape[1]),
                                    index_map=lambda i: (i, 0))],
            core_axis_name="subcore",
            dimension_semantics=(pltpu.PARALLEL,),
        )(i_hbm, o_hbm)

    return kern(cb, indices)

# --- scband reference (transcript-rebuilt; emitter-appended) ---
"""Pipeline reference for scband-vector-quantizer-2388001817302 (READ-ONLY COPY).

The authoritative reference and input builder live on the scoring server;
editing this copy changes nothing except your own understanding.
"""

import jax, jax.numpy as jnp
import numpy as np


def setup_inputs(seed: int = 0) -> dict:
    key = jax.random.key(seed)
    k1, k2 = jax.random.split(key)
    inp = jax.random.normal(k1, (32, 256, 24, 24), dtype=jnp.float32)
    codebook = jax.random.normal(k2, (1024, 256), dtype=jnp.float32) * 0.02
    return {"input": inp, "codebook": codebook}


def reference(input, codebook):
    # quantize_vector: flatten (B, D, *) -> (B*N, D), nearest-neighbor lookup in codebook,
    # gather embeddings, reshape back to input layout.
    B, D = input.shape[0], input.shape[1]
    spatial = input.shape[2:]
    z = input.reshape(B, D, -1)
    z = jnp.transpose(z, (0, 2, 1))
    flat = z.reshape(-1, D)
    # squared euclidean distance: ||z||^2 - 2 z.e + ||e||^2
    dist = (
        jnp.sum(flat ** 2, axis=-1, keepdims=True)
        - 2.0 * flat @ codebook.T
        + jnp.sum(codebook ** 2, axis=-1)[None, :]
    )
    indices = jnp.argmin(dist, axis=-1)
    quantized = jnp.take(codebook, indices, axis=0)
    quantized = quantized.reshape(B, -1, D)
    quantized = jnp.transpose(quantized, (0, 2, 1)).reshape(input.shape)
    idx_out = indices.reshape((B,) + spatial)
    return quantized, idx_out

if __name__ == "__main__":
    import jax
    _d = setup_inputs()
    print(jax.jit(kernel)(*tuple(_d.values())))

</pallas_src>

<mosaic_0001>
#map = affine_map<(d0, d1) -> (0, 0)>
module attributes {stable_mosaic.version = 14 : i64} {
  func.func @kern(%arg0: i32, %arg1: i32, %arg2: memref<1024x256xf32, #tpu.memory_space<hbm>>, %arg3: memref<1x18432xi32, #tpu.memory_space<hbm>>, %arg4: memref<18432x256xf32, #tpu.memory_space<hbm>>) attributes {dimension_semantics = [#tpu.dimension_semantics<core_parallel>, #tpu.dimension_semantics<subcore_parallel>], iteration_bounds = array<i64: 2, 16>, scalar_prefetch = 0 : i64, scratch_operands = 0 : i64, tpu.core_type = #tpu.core_type<sc_vector_subcore>, window_params = [{transform_indices = #map}, {transform_indices = #map}, {transform_indices = #map}]} {
    %mul3A = arith.constant 9 : i32
    %mul3A_0 = arith.muli %arg1, %mul3A : i32
    "tpu.region"() ({
      %run_scoped3A = memref.alloca() : memref<2x1x128xi32, #tpu.memory_space<vmem>>
      %run_scoped3A_1 = tpu.sem_alloc : memref<2x!tpu.dma_semaphore, #tpu.memory_space<semaphore_mem>>
      %run_scoped3A_2 = memref.alloca() : memref<2x128x256xf32, #tpu.memory_space<vmem>>
      %run_scoped3A_3 = tpu.sem_alloc : memref<2x!tpu.dma_semaphore, #tpu.memory_space<semaphore_mem>>
      %add3A = arith.constant 0 : i32
      %add3A_4 = arith.addi %add3A, %mul3A_0 : i32
      %select_n3A = arith.constant true
      %select_n3A_5 = arith.constant 0 : i32
      %select_n3A_6 = arith.constant -1 : i32
      %select_n3A_7 = arith.select %select_n3A, %select_n3A_6, %select_n3A_5 : i32
      %eq3A = arith.constant -1 : i32
      %eq3A_8 = arith.cmpi eq, %select_n3A_7, %eq3A : i32
      %select_n3A_9 = arith.constant 8 : i32
      %select_n3A_10 = arith.select %eq3A_8, %select_n3A_9, %select_n3A_7 : i32
      %add3A_11 = arith.addi %select_n3A_10, %mul3A_0 : i32
      %select_n3A_12 = arith.constant true
      %select_n3A_13 = arith.constant 0 : i32
      %select_n3A_14 = arith.constant 1 : i32
      %select_n3A_15 = arith.select %select_n3A_12, %select_n3A_14, %select_n3A_13 : i32
      %eq3A_16 = arith.constant 9 : i32
      %eq3A_17 = arith.cmpi eq, %select_n3A_15, %eq3A_16 : i32
      %select_n3A_18 = arith.constant 0 : i32
      %select_n3A_19 = arith.select %eq3A_17, %select_n3A_18, %select_n3A_15 : i32
      %add3A_20 = arith.addi %select_n3A_19, %mul3A_0 : i32
      %add3A_21 = arith.constant 1 : i32
      %add3A_22 = arith.addi %select_n3A_19, %add3A_21 : i32
      %select_n3A_23 = arith.constant true
      %select_n3A_24 = arith.select %select_n3A_23, %add3A_22, %select_n3A_19 : i32
      %eq3A_25 = arith.constant 9 : i32
      %eq3A_26 = arith.cmpi eq, %select_n3A_24, %eq3A_25 : i32
      %select_n3A_27 = arith.constant 0 : i32
      %select_n3A_28 = arith.select %eq3A_26, %select_n3A_27, %select_n3A_24 : i32
      %add3A_29 = arith.addi %select_n3A_28, %mul3A_0 : i32
      "tpu.trace_start"() <{level = 10 : i32, message = "ep_initialize_0"}> : () -> ()
      %rem3A = arith.constant 0 : i32
      %rem3A_30 = arith.constant 2 : i32
      %rem3A_31 = arith.remui %rem3A, %rem3A_30 : i32
      %mul3A_32 = arith.constant 128 : i32
      %mul3A_33 = arith.muli %mul3A_32, %add3A_4 : i32
      %dma_start3A = arith.constant 0 : i32
      %dma_start3A_34 = arith.constant 0 : i32
      %dma_start3A_35 = tpu.memref_slice %run_scoped3A[%rem3A_31, %dma_start3A, %dma_start3A_34] : memref<2x1x128xi32, #tpu.memory_space<vmem>> -> memref<1x1x128xi32, #tpu.memory_space<vmem>>
      %dma_start3A_36 = tpu.memref_squeeze %dma_start3A_35 : memref<1x1x128xi32, #tpu.memory_space<vmem>> -> memref<1x128xi32, #tpu.memory_space<vmem>>
      %dma_start3A_37 = arith.constant 0 : i32
      %dma_start3A_38 = tpu.memref_slice %arg3[%dma_start3A_37, %mul3A_33] : memref<1x18432xi32, #tpu.memory_space<hbm>> -> memref<1x128xi32, #tpu.memory_space<hbm>>
      %dma_start3A_39 = tpu.memref_slice %run_scoped3A_1[%rem3A_31] : memref<2x!tpu.dma_semaphore, #tpu.memory_space<semaphore_mem>> -> memref<1x!tpu.dma_semaphore, #tpu.memory_space<semaphore_mem>>
      %dma_start3A_40 = tpu.memref_squeeze %dma_start3A_39 : memref<1x!tpu.dma_semaphore, #tpu.memory_space<semaphore_mem>> -> memref<!tpu.dma_semaphore, #tpu.memory_space<semaphore_mem>>
      %dma_start3A_41 = arith.constant 0 : i32
      %dma_start3A_42 = arith.constant 0 : i32
      %dma_start3A_43 = tpu.memref_slice %run_scoped3A[%rem3A_31, %dma_start3A_41, %dma_start3A_42] : memref<2x1x128xi32, #tpu.memory_space<vmem>> -> memref<1x1x128xi32, #tpu.memory_space<vmem>>
      %dma_start3A_44 = tpu.memref_squeeze %dma_start3A_43 : memref<1x1x128xi32, #tpu.memory_space<vmem>> -> memref<1x128xi32, #tpu.memory_space<vmem>>
      %dma_start3A_45 = arith.constant 0 : i32
      %dma_start3A_46 = tpu.memref_slice %arg3[%dma_start3A_45, %mul3A_33] : memref<1x18432xi32, #tpu.memory_space<hbm>> -> memref<1x128xi32, #tpu.memory_space<hbm>>
      tpu.enqueue_dma source(%dma_start3A_46 : memref<1x128xi32, #tpu.memory_space<hbm>>) target(%dma_start3A_44 : memref<1x128xi32, #tpu.memory_space<vmem>>) target_semaphore(%dma_start3A_40 : memref<!tpu.dma_semaphore, #tpu.memory_space<semaphore_mem>>)
      %add3A_47 = arith.constant 0 : i32
      %add3A_48 = arith.constant 1 : i32
      %add3A_49 = arith.addi %add3A_47, %add3A_48 : i32
      %select_n3A_50 = arith.constant true
      %select_n3A_51 = arith.constant 0 : i32
      %select_n3A_52 = arith.select %select_n3A_50, %add3A_49, %select_n3A_51 : i32
      "tpu.trace_stop"() : () -> ()
      %scan3A = arith.constant 0 : i32
      %scan3A_53 = arith.constant 0 : i32
      %scan3A_54 = arith.constant 0 : i32
      %scan3A_55 = arith.constant 0 : i32
      %scan3A_56 = arith.constant 0 : i32
      %scan3A_57 = arith.constant 9 : i32
      %scan3A_58 = arith.addi %scan3A_56, %scan3A_57 : i32
      %scan3A_59 = arith.constant 1 : i32
      %scan3A_60:5 = scf.for %scan3A_114 = %scan3A_56 to %scan3A_58 step %scan3A_59 iter_args(%scan3A_115 = %select_n3A_52, %scan3A_116 = %scan3A, %scan3A_117 = %scan3A_53, %scan3A_118 = %scan3A_54, %scan3A_119 = %scan3A_55) -> (i32, i32, i32, i32, i32)  : i32 {
        %eq3A_120 = arith.constant 0 : i32
        %eq3A_121 = arith.cmpi eq, %scan3A_114, %eq3A_120 : i32
        %eq3A_122 = arith.constant 8 : i32
        %eq3A_123 = arith.cmpi eq, %scan3A_114, %eq3A_122 : i32
        %add3A_124 = arith.addi %scan3A_119, %mul3A_0 : i32
        %sub3A_125 = arith.constant 1 : i32
        %sub3A_126 = arith.subi %scan3A_119, %sub3A_125 : i32
        %select_n3A_127 = arith.constant true
        %select_n3A_128 = arith.select %select_n3A_127, %sub3A_126, %scan3A_119 : i32
        %eq3A_129 = arith.constant -1 : i32
        %eq3A_130 = arith.cmpi eq, %select_n3A_128, %eq3A_129 : i32
        %select_n3A_131 = arith.constant 8 : i32
        %select_n3A_132 = arith.select %eq3A_130, %select_n3A_131, %select_n3A_128 : i32
        %add3A_133 = arith.addi %select_n3A_132, %mul3A_0 : i32
        %add3A_134 = arith.constant 1 : i32
        %add3A_135 = arith.addi %scan3A_119, %add3A_134 : i32
        %select_n3A_136 = arith.constant true
        %select_n3A_137 = arith.select %select_n3A_136, %add3A_135, %scan3A_119 : i32
        %eq3A_138 = arith.constant 9 : i32
        %eq3A_139 = arith.cmpi eq, %select_n3A_137, %eq3A_138 : i32
        %select_n3A_140 = arith.constant 0 : i32
        %select_n3A_141 = arith.select %eq3A_139, %select_n3A_140, %select_n3A_137 : i32
        %add3A_142 = arith.addi %select_n3A_141, %mul3A_0 : i32
        %add3A_143 = arith.constant 1 : i32
        %add3A_144 = arith.addi %select_n3A_141, %add3A_143 : i32
        %select_n3A_145 = arith.constant true
        %select_n3A_146 = arith.select %select_n3A_145, %add3A_144, %select_n3A_141 : i32
        %eq3A_147 = arith.constant 9 : i32
        %eq3A_148 = arith.cmpi eq, %select_n3A_146, %eq3A_147 : i32
        %select_n3A_149 = arith.constant 0 : i32
        %select_n3A_150 = arith.select %eq3A_148, %select_n3A_149, %select_n3A_146 : i32
        %add3A_151 = arith.addi %select_n3A_150, %mul3A_0 : i32
        %ne3A = arith.cmpi ne, %add3A_124, %add3A_142 : i32
        %or3A = arith.constant false
        %or3A_152 = arith.ori %or3A, %ne3A : i1
        %ge3A = arith.constant 8 : i32
        %ge3A_153 = arith.cmpi sge, %scan3A_114, %ge3A : i32
        %not3A = arith.constant true
        %not3A_154 = arith.xori %ge3A_153, %not3A : i1
        %and3A = arith.andi %or3A_152, %not3A_154 : i1
        %convert_element_type3A = arith.extui %and3A : i1 to i32
        %cond3A = arith.constant 0 : i32
        %cond3A_155 = arith.cmpi ne, %convert_element_type3A, %cond3A : i32
        scf.if %cond3A_155 {
          "tpu.trace_start"() <{level = 10 : i32, message = "ep_copy_in"}> : () -> ()
          %rem3A_257 = arith.constant 2 : i32
          %rem3A_258 = arith.remui %scan3A_115, %rem3A_257 : i32
          %mul3A_259 = arith.constant 128 : i32
          %mul3A_260 = arith.muli %mul3A_259, %add3A_142 : i32
          %dma_start3A_261 = arith.constant 0 : i32
          %dma_start3A_262 = arith.constant 0 : i32
          %dma_start3A_263 = tpu.memref_slice %run_scoped3A[%rem3A_258, %dma_start3A_261, %dma_start3A_262] : memref<2x1x128xi32, #tpu.memory_space<vmem>> -> memref<1x1x128xi32, #tpu.memory_space<vmem>>
          %dma_start3A_264 = tpu.memref_squeeze %dma_start3A_263 : memref<1x1x128xi32, #tpu.memory_space<vmem>> -> memref<1x128xi32, #tpu.memory_space<vmem>>
          %dma_start3A_265 = arith.constant 0 : i32
          %dma_start3A_266 = tpu.memref_slice %arg3[%dma_start3A_265, %mul3A_260] : memref<1x18432xi32, #tpu.memory_space<hbm>> -> memref<1x128xi32, #tpu.memory_space<hbm>>
          %dma_start3A_267 = tpu.memref_slice %run_scoped3A_1[%rem3A_258] : memref<2x!tpu.dma_semaphore, #tpu.memory_space<semaphore_mem>> -> memref<1x!tpu.dma_semaphore, #tpu.memory_space<semaphore_mem>>
          %dma_start3A_268 = tpu.memref_squeeze %dma_start3A_267 : memref<1x!tpu.dma_semaphore, #tpu.memory_space<semaphore_mem>> -> memref<!tpu.dma_semaphore, #tpu.memory_space<semaphore_mem>>
          %dma_start3A_269 = arith.constant 0 : i32
          %dma_start3A_270 = arith.constant 0 : i32
          %dma_start3A_271 = tpu.memref_slice %run_scoped3A[%rem3A_258, %dma_start3A_269, %dma_start3A_270] : memref<2x1x128xi32, #tpu.memory_space<vmem>> -> memref<1x1x128xi32, #tpu.memory_space<vmem>>
          %dma_start3A_272 = tpu.memref_squeeze %dma_start3A_271 : memref<1x1x128xi32, #tpu.memory_space<vmem>> -> memref<1x128xi32, #tpu.memory_space<vmem>>
          %dma_start3A_273 = arith.constant 0 : i32
          %dma_start3A_274 = tpu.memref_slice %arg3[%dma_start3A_273, %mul3A_260] : memref<1x18432xi32, #tpu.memory_space<hbm>> -> memref<1x128xi32, #tpu.memory_space<hbm>>
          tpu.enqueue_dma source(%dma_start3A_274 : memref<1x128xi32, #tpu.memory_space<hbm>>) target(%dma_start3A_272 : memref<1x128xi32, #tpu.memory_space<vmem>>) target_semaphore(%dma_start3A_268 : memref<!tpu.dma_semaphore, #tpu.memory_space<semaphore_mem>>)
          "tpu.trace_stop"() : () -> ()
        } else {
        }
        %and3A_156 = arith.constant true
        %and3A_157 = arith.andi %and3A, %and3A_156 : i1
        %add3A_158 = arith.constant 1 : i32
        %add3A_159 = arith.addi %scan3A_115, %add3A_158 : i32
        %select_n3A_160 = arith.select %and3A_157, %add3A_159, %scan3A_115 : i32
        %ne3A_161 = arith.cmpi ne, %add3A_124, %add3A_142 : i32
        %or3A_162 = arith.constant false
        %or3A_163 = arith.ori %or3A_162, %ne3A_161 : i1
        %or3A_164 = arith.constant false
        %or3A_165 = arith.ori %or3A_163, %or3A_164 : i1
        %ge3A_166 = arith.constant 8 : i32
        %ge3A_167 = arith.cmpi sge, %scan3A_114, %ge3A_166 : i32
        %not3A_168 = arith.constant true
        %not3A_169 = arith.xori %ge3A_167, %not3A_168 : i1
        %and3A_170 = arith.andi %or3A_165, %not3A_169 : i1
        %ne3A_171 = arith.cmpi ne, %add3A_124, %add3A_133 : i32
        %or3A_172 = arith.constant false
        %or3A_173 = arith.ori %or3A_172, %ne3A_171 : i1
        %or3A_174 = arith.ori %or3A_173, %eq3A_121 : i1
        %convert_element_type3A_175 = arith.extui %or3A_174 : i1 to i32
        %cond3A_176 = arith.constant 0 : i32
        %cond3A_177 = arith.cmpi ne, %convert_element_type3A_175, %cond3A_176 : i32
        scf.if %cond3A_177 {
          "tpu.trace_start"() <{level = 10 : i32, message = "ep_wait_in"}> : () -> ()
          %mul3A_257 = arith.constant 128 : i32
          %mul3A_258 = arith.muli %mul3A_257, %add3A_124 : i32
          %rem3A_259 = arith.constant 2 : i32
          %rem3A_260 = arith.remui %scan3A_116, %rem3A_259 : i32
          %dma_wait3A_261 = arith.constant 0 : i32
          %dma_wait3A_262 = arith.constant 0 : i32
          %dma_wait3A_263 = tpu.memref_slice %run_scoped3A[%rem3A_260, %dma_wait3A_261, %dma_wait3A_262] : memref<2x1x128xi32, #tpu.memory_space<vmem>> -> memref<1x1x128xi32, #tpu.memory_space<vmem>>
          %dma_wait3A_264 = tpu.memref_squeeze %dma_wait3A_263 : memref<1x1x128xi32, #tpu.memory_space<vmem>> -> memref<1x128xi32, #tpu.memory_space<vmem>>
          %dma_wait3A_265 = arith.constant 0 : i32
          %dma_wait3A_266 = tpu.memref_slice %arg3[%dma_wait3A_265, %mul3A_258] : memref<1x18432xi32, #tpu.memory_space<hbm>> -> memref<1x128xi32, #tpu.memory_space<hbm>>
          %dma_wait3A_267 = tpu.memref_slice %run_scoped3A_1[%rem3A_260] : memref<2x!tpu.dma_semaphore, #tpu.memory_space<semaphore_mem>> -> memref<1x!tpu.dma_semaphore, #tpu.memory_space<semaphore_mem>>
          %dma_wait3A_268 = tpu.memref_squeeze %dma_wait3A_267 : memref<1x!tpu.dma_semaphore, #tpu.memory_space<semaphore_mem>> -> memref<!tpu.dma_semaphore, #tpu.memory_space<semaphore_mem>>
          %dma_wait3A_269 = arith.constant 0 : i32
          %dma_wait3A_270 = arith.constant 0 : i32
          %dma_wait3A_271 = tpu.memref_slice %run_scoped3A[%rem3A_260, %dma_wait3A_269, %dma_wait3A_270] : memref<2x1x128xi32, #tpu.memory_space<vmem>> -> memref<1x1x128xi32, #tpu.memory_space<vmem>>
          %dma_wait3A_272 = tpu.memref_squeeze %dma_wait3A_271 : memref<1x1x128xi32, #tpu.memory_space<vmem>> -> memref<1x128xi32, #tpu.memory_space<vmem>>
          %dma_wait3A_273 = arith.constant 0 : i32
          %dma_wait3A_274 = tpu.memref_slice %arg3[%dma_wait3A_273, %mul3A_258] : memref<1x18432xi32, #tpu.memory_space<hbm>> -> memref<1x128xi32, #tpu.memory_space<hbm>>
          tpu.wait_dma2 semaphore(%dma_wait3A_268 : memref<!tpu.dma_semaphore, #tpu.memory_space<semaphore_mem>>) src(%dma_wait3A_274 : memref<1x128xi32, #tpu.memory_space<hbm>>) dst(%dma_wait3A_272 : memref<1x128xi32, #tpu.memory_space<vmem>>)
          "tpu.trace_stop"() : () -> ()
        } else {
        }
        %ne3A_178 = arith.cmpi ne, %add3A_124, %add3A_133 : i32
        %or3A_179 = arith.constant false
        %or3A_180 = arith.ori %or3A_179, %ne3A_178 : i1
        %or3A_181 = arith.constant false
        %or3A_182 = arith.ori %or3A_180, %or3A_181 : i1
        %or3A_183 = arith.ori %or3A_182, %eq3A_121 : i1
        %convert_element_type3A_184 = arith.extui %or3A_183 : i1 to i32
        %cond3A_185 = arith.constant 0 : i32
        %cond3A_186 = arith.cmpi ne, %convert_element_type3A_184, %cond3A_185 : i32
        scf.if %cond3A_186 {
        } else {
        }
        %rem3A_187 = arith.constant 2 : i32
        %rem3A_188 = arith.remui %scan3A_116, %rem3A_187 : i32
        %rem3A_189 = arith.constant 2 : i32
        %rem3A_190 = arith.remui %scan3A_117, %rem3A_189 : i32
        %run_scoped3A_191 = arith.constant 0 : i32
        "tpu.trace_start"() <{level = 10 : i32, message = "ep_run_kernel"}> : () -> ()
        "tpu.region"() ({
          %run_scoped3A_257 = tpu.sem_alloc : memref<!tpu.dma_semaphore, #tpu.memory_space<semaphore_mem>>
          %dma_start3A_258 = arith.constant 0 : i32
          %dma_start3A_259 = arith.constant 0 : i32
          %dma_start3A_260 = tpu.memref_slice %run_scoped3A_2[%rem3A_190, %dma_start3A_258, %dma_start3A_259] : memref<2x128x256xf32, #tpu.memory_space<vmem>> -> memref<1x128x256xf32, #tpu.memory_space<vmem>>
          %dma_start3A_261 = tpu.memref_squeeze %dma_start3A_260 : memref<1x128x256xf32, #tpu.memory_space<vmem>> -> memref<128x256xf32, #tpu.memory_space<vmem>>
          %dma_start3A_262 = arith.constant 0 : i32
          %dma_start3A_263 = arith.constant 0 : i32
          %dma_start3A_264 = tpu.memref_slice %run_scoped3A[%rem3A_188, %dma_start3A_262, %dma_start3A_263] : memref<2x1x128xi32, #tpu.memory_space<vmem>> -> memref<1x1x128xi32, #tpu.memory_space<vmem>>
          %dma_start3A_265 = tpu.memref_squeeze %dma_start3A_264 : memref<1x1x128xi32, #tpu.memory_space<vmem>> -> memref<1x128xi32, #tpu.memory_space<vmem>>
          %dma_start3A_266 = arith.constant 0 : i32
          %dma_start3A_267 = tpu.memref_slice %dma_start3A_265[%run_scoped3A_191, %dma_start3A_266] : memref<1x128xi32, #tpu.memory_space<vmem>> -> memref<1x128xi32, #tpu.memory_space<vmem>>
          %dma_start3A_268 = tpu.memref_squeeze %dma_start3A_267 : memref<1x128xi32, #tpu.memory_space<vmem>> -> memref<128xi32, #tpu.memory_space<vmem>>
          %dma_start3A_269 = arith.constant 0 : i32
          %dma_start3A_270 = arith.constant 0 : i32
          %dma_start3A_271 = tpu.memref_slice %arg2[%dma_start3A_269, %dma_start3A_270] : memref<1024x256xf32, #tpu.memory_space<hbm>> -> memref<1024x256xf32, #tpu.memory_space<hbm>>
          tpu.enqueue_indirect_dma source(%dma_start3A_271 : memref<1024x256xf32, #tpu.memory_space<hbm>>) target(%dma_start3A_261 : memref<128x256xf32, #tpu.memory_space<vmem>>) offsets(%dma_start3A_268 : memref<128xi32, #tpu.memory_space<vmem>>) semaphore(%run_scoped3A_257 : memref<!tpu.dma_semaphore, #tpu.memory_space<semaphore_mem>>)
          %dma_wait3A_272 = arith.constant 0 : i32
          %dma_wait3A_273 = arith.constant 0 : i32
          %dma_wait3A_274 = tpu.memref_slice %run_scoped3A_2[%rem3A_190, %dma_wait3A_272, %dma_wait3A_273] : memref<2x128x256xf32, #tpu.memory_space<vmem>> -> memref<1x128x256xf32, #tpu.memory_space<vmem>>
          %dma_wait3A_275 = tpu.memref_squeeze %dma_wait3A_274 : memref<1x128x256xf32, #tpu.memory_space<vmem>> -> memref<128x256xf32, #tpu.memory_space<vmem>>
          %dma_wait3A_276 = arith.constant 0 : i32
          %dma_wait3A_277 = arith.constant 0 : i32
          %dma_wait3A_278 = tpu.memref_slice %run_scoped3A[%rem3A_188, %dma_wait3A_276, %dma_wait3A_277] : memref<2x1x128xi32, #tpu.memory_space<vmem>> -> memref<1x1x128xi32, #tpu.memory_space<vmem>>
          %dma_wait3A_279 = tpu.memref_squeeze %dma_wait3A_278 : memref<1x1x128xi32, #tpu.memory_space<vmem>> -> memref<1x128xi32, #tpu.memory_space<vmem>>
          %dma_wait3A_280 = arith.constant 0 : i32
          %dma_wait3A_281 = tpu.memref_slice %dma_wait3A_279[%run_scoped3A_191, %dma_wait3A_280] : memref<1x128xi32, #tpu.memory_space<vmem>> -> memref<1x128xi32, #tpu.memory_space<vmem>>
          %dma_wait3A_282 = tpu.memref_squeeze %dma_wait3A_281 : memref<1x128xi32, #tpu.memory_space<vmem>> -> memref<128xi32, #tpu.memory_space<vmem>>
          %dma_wait3A_283 = arith.constant 0 : i32
          %dma_wait3A_284 = arith.constant 0 : i32
          %dma_wait3A_285 = tpu.memref_slice %arg2[%dma_wait3A_283, %dma_wait3A_284] : memref<1024x256xf32, #tpu.memory_space<hbm>> -> memref<1024x256xf32, #tpu.memory_space<hbm>>
          tpu.wait_indirect_dma semaphore(%run_scoped3A_257 : memref<!tpu.dma_semaphore, #tpu.memory_space<semaphore_mem>>) src(%dma_wait3A_285 : memref<1024x256xf32, #tpu.memory_space<hbm>>) dst(%dma_wait3A_275 : memref<128x256xf32, #tpu.memory_space<vmem>>)
          tpu.yield
        }) : () -> ()
        "tpu.trace_stop"() : () -> ()
        %ne3A_192 = arith.cmpi ne, %add3A_124, %add3A_142 : i32
        %or3A_193 = arith.constant false
        %or3A_194 = arith.ori %or3A_193, %ne3A_192 : i1
        %or3A_195 = arith.ori %or3A_194, %eq3A_123 : i1
        %convert_element_type3A_196 = arith.extui %or3A_195 : i1 to i32
        %cond3A_197 = arith.constant 0 : i32
        %cond3A_198 = arith.cmpi ne, %convert_element_type3A_196, %cond3A_197 : i32
        scf.if %cond3A_198 {
        } else {
        }
        %and3A_199 = arith.constant false
        %and3A_200 = arith.andi %or3A_195, %and3A_199 : i1
        %ne3A_201 = arith.cmpi ne, %add3A_124, %add3A_142 : i32
        %or3A_202 = arith.constant false
        %or3A_203 = arith.ori %or3A_202, %ne3A_201 : i1
        %or3A_204 = arith.constant false
        %or3A_205 = arith.ori %or3A_203, %or3A_204 : i1
        %or3A_206 = arith.ori %or3A_205, %eq3A_123 : i1
        %convert_element_type3A_207 = arith.extui %or3A_206 : i1 to i32
        %cond3A_208 = arith.constant 0 : i32
        %cond3A_209 = arith.cmpi ne, %convert_element_type3A_207, %cond3A_208 : i32
        scf.if %cond3A_209 {
          "tpu.trace_start"() <{level = 10 : i32, message = "ep_copy_out"}> : () -> ()
          %rem3A_257 = arith.constant 2 : i32
          %rem3A_258 = arith.remui %scan3A_117, %rem3A_257 : i32
          %mul3A_259 = arith.constant 128 : i32
          %mul3A_260 = arith.muli %mul3A_259, %add3A_124 : i32
          %dma_start3A_261 = arith.constant 0 : i32
          %dma_start3A_262 = arith.constant 0 : i32
          %dma_start3A_263 = tpu.memref_slice %run_scoped3A_2[%rem3A_258, %dma_start3A_261, %dma_start3A_262] : memref<2x128x256xf32, #tpu.memory_space<vmem>> -> memref<1x128x256xf32, #tpu.memory_space<vmem>>
          %dma_start3A_264 = tpu.memref_squeeze %dma_start3A_263 : memref<1x128x256xf32, #tpu.memory_space<vmem>> -> memref<128x256xf32, #tpu.memory_space<vmem>>
          %dma_start3A_265 = arith.constant 0 : i32
          %dma_start3A_266 = tpu.memref_slice %arg4[%mul3A_260, %dma_start3A_265] : memref<18432x256xf32, #tpu.memory_space<hbm>> -> memref<128x256xf32, #tpu.memory_space<hbm>>
          %dma_start3A_267 = tpu.memref_slice %run_scoped3A_3[%rem3A_258] : memref<2x!tpu.dma_semaphore, #tpu.memory_space<semaphore_mem>> -> memref<1x!tpu.dma_semaphore, #tpu.memory_space<semaphore_mem>>
          %dma_start3A_268 = tpu.memref_squeeze %dma_start3A_267 : memref<1x!tpu.dma_semaphore, #tpu.memory_space<semaphore_mem>> -> memref<!tpu.dma_semaphore, #tpu.memory_space<semaphore_mem>>
          %dma_start3A_269 = arith.constant 0 : i32
          %dma_start3A_270 = tpu.memref_slice %arg4[%mul3A_260, %dma_start3A_269] : memref<18432x256xf32, #tpu.memory_space<hbm>> -> memref<128x256xf32, #tpu.memory_space<hbm>>
          %dma_start3A_271 = arith.constant 0 : i32
          %dma_start3A_272 = arith.constant 0 : i32
          %dma_start3A_273 = tpu.memref_slice %run_scoped3A_2[%rem3A_258, %dma_start3A_271, %dma_start3A_272] : memref<2x128x256xf32, #tpu.memory_space<vmem>> -> memref<1x128x256xf32, #tpu.memory_space<vmem>>
          %dma_start3A_274 = tpu.memref_squeeze %dma_start3A_273 : memref<1x128x256xf32, #tpu.memory_space<vmem>> -> memref<128x256xf32, #tpu.memory_space<vmem>>
          tpu.enqueue_dma source(%dma_start3A_274 : memref<128x256xf32, #tpu.memory_space<vmem>>) target(%dma_start3A_270 : memref<128x256xf32, #tpu.memory_space<hbm>>) target_semaphore(%dma_start3A_268 : memref<!tpu.dma_semaphore, #tpu.memory_space<semaphore_mem>>)
          "tpu.trace_stop"() : () -> ()
        } else {
        }
        %and3A_210 = arith.constant true
        %and3A_211 = arith.andi %or3A_206, %and3A_210 : i1
        %add3A_212 = arith.constant 1 : i32
        %add3A_213 = arith.addi %scan3A_117, %add3A_212 : i32
        %select_n3A_214 = arith.select %and3A_211, %add3A_213, %scan3A_117 : i32
        %ne3A_215 = arith.cmpi ne, %add3A_124, %add3A_133 : i32
        %or3A_216 = arith.constant false
        %or3A_217 = arith.ori %or3A_216, %ne3A_215 : i1
        %not3A_218 = arith.constant true
        %not3A_219 = arith.xori %eq3A_121, %not3A_218 : i1
        %and3A_220 = arith.andi %or3A_217, %not3A_219 : i1
        %convert_element_type3A_221 = arith.extui %and3A_220 : i1 to i32
        %cond3A_222 = arith.constant 0 : i32
        %cond3A_223 = arith.cmpi ne, %convert_element_type3A_221, %cond3A_222 : i32
        scf.if %cond3A_223 {
        } else {
        }
        %and3A_224 = arith.constant false
        %and3A_225 = arith.andi %and3A_220, %and3A_224 : i1
        %ne3A_226 = arith.cmpi ne, %add3A_124, %add3A_133 : i32
        %or3A_227 = arith.constant false
        %or3A_228 = arith.ori %or3A_227, %ne3A_226 : i1
        %or3A_229 = arith.constant false
        %or3A_230 = arith.ori %or3A_228, %or3A_229 : i1
        %not3A_231 = arith.constant true
        %not3A_232 = arith.xori %eq3A_121, %not3A_231 : i1
        %and3A_233 = arith.andi %or3A_230, %not3A_232 : i1
        %convert_element_type3A_234 = arith.extui %and3A_233 : i1 to i32
        %cond3A_235 = arith.constant 0 : i32
        %cond3A_236 = arith.cmpi ne, %convert_element_type3A_234, %cond3A_235 : i32
        scf.if %cond3A_236 {
          "tpu.trace_start"() <{level = 10 : i32, message = "ep_wait_out"}> : () -> ()
          %rem3A_257 = arith.constant 2 : i32
          %rem3A_258 = arith.remui %scan3A_118, %rem3A_257 : i32
          %mul3A_259 = arith.constant 128 : i32
          %mul3A_260 = arith.muli %mul3A_259, %add3A_133 : i32
          %dma_wait3A_261 = arith.constant 0 : i32
          %dma_wait3A_262 = arith.constant 0 : i32
          %dma_wait3A_263 = tpu.memref_slice %run_scoped3A_2[%rem3A_258, %dma_wait3A_261, %dma_wait3A_262] : memref<2x128x256xf32, #tpu.memory_space<vmem>> -> memref<1x128x256xf32, #tpu.memory_space<vmem>>
          %dma_wait3A_264 = tpu.memref_squeeze %dma_wait3A_263 : memref<1x128x256xf32, #tpu.memory_space<vmem>> -> memref<128x256xf32, #tpu.memory_space<vmem>>
          %dma_wait3A_265 = arith.constant 0 : i32
          %dma_wait3A_266 = tpu.memref_slice %arg4[%mul3A_260, %dma_wait3A_265] : memref<18432x256xf32, #tpu.memory_space<hbm>> -> memref<128x256xf32, #tpu.memory_space<hbm>>
          %dma_wait3A_267 = tpu.memref_slice %run_scoped3A_3[%rem3A_258] : memref<2x!tpu.dma_semaphore, #tpu.memory_space<semaphore_mem>> -> memref<1x!tpu.dma_semaphore, #tpu.memory_space<semaphore_mem>>
          %dma_wait3A_268 = tpu.memref_squeeze %dma_wait3A_267 : memref<1x!tpu.dma_semaphore, #tpu.memory_space<semaphore_mem>> -> memref<!tpu.dma_semaphore, #tpu.memory_space<semaphore_mem>>
          %dma_wait3A_269 = arith.constant 0 : i32
          %dma_wait3A_270 = tpu.memref_slice %arg4[%mul3A_260, %dma_wait3A_269] : memref<18432x256xf32, #tpu.memory_space<hbm>> -> memref<128x256xf32, #tpu.memory_space<hbm>>
          %dma_wait3A_271 = arith.constant 0 : i32
          %dma_wait3A_272 = arith.constant 0 : i32
          %dma_wait3A_273 = tpu.memref_slice %run_scoped3A_2[%rem3A_258, %dma_wait3A_271, %dma_wait3A_272] : memref<2x128x256xf32, #tpu.memory_space<vmem>> -> memref<1x128x256xf32, #tpu.memory_space<vmem>>
          %dma_wait3A_274 = tpu.memref_squeeze %dma_wait3A_273 : memref<1x128x256xf32, #tpu.memory_space<vmem>> -> memref<128x256xf32, #tpu.memory_space<vmem>>
          tpu.wait_dma2 semaphore(%dma_wait3A_268 : memref<!tpu.dma_semaphore, #tpu.memory_space<semaphore_mem>>) src(%dma_wait3A_274 : memref<128x256xf32, #tpu.memory_space<vmem>>) dst(%dma_wait3A_270 : memref<128x256xf32, #tpu.memory_space<hbm>>)
          "tpu.trace_stop"() : () -> ()
        } else {
        }
        %and3A_237 = arith.constant true
        %and3A_238 = arith.andi %and3A_233, %and3A_237 : i1
        %add3A_239 = arith.constant 1 : i32
        %add3A_240 = arith.addi %scan3A_118, %add3A_239 : i32
        %select_n3A_241 = arith.select %and3A_238, %add3A_240, %scan3A_118 : i32
        %ne3A_242 = arith.cmpi ne, %add3A_124, %add3A_142 : i32
        %or3A_243 = arith.constant false
        %or3A_244 = arith.ori %or3A_243, %ne3A_242 : i1
        %or3A_245 = arith.ori %or3A_244, %eq3A_123 : i1
        %add3A_246 = arith.constant 1 : i32
        %add3A_247 = arith.addi %scan3A_116, %add3A_246 : i32
        %select_n3A_248 = arith.select %or3A_245, %add3A_247, %scan3A_116 : i32
        %add3A_249 = arith.constant 1 : i32
        %add3A_250 = arith.addi %scan3A_119, %add3A_249 : i32
        %select_n3A_251 = arith.constant true
        %select_n3A_252 = arith.select %select_n3A_251, %add3A_250, %scan3A_119 : i32
        %eq3A_253 = arith.constant 9 : i32
        %eq3A_254 = arith.cmpi eq, %select_n3A_252, %eq3A_253 : i32
        %select_n3A_255 = arith.constant 0 : i32
        %select_n3A_256 = arith.select %eq3A_254, %select_n3A_255, %select_n3A_252 : i32
        scf.yield %select_n3A_160, %select_n3A_248, %select_n3A_214, %select_n3A_241, %select_n3A_256 : i32, i32, i32, i32, i32
      }
      %scan3A_61 = arith.constant 9 : i32
      %sub3A = arith.constant 1 : i32
      %sub3A_62 = arith.subi %scan3A_60#4, %sub3A : i32
      %select_n3A_63 = arith.constant true
      %select_n3A_64 = arith.select %select_n3A_63, %sub3A_62, %scan3A_60#4 : i32
      %eq3A_65 = arith.constant -1 : i32
      %eq3A_66 = arith.cmpi eq, %select_n3A_64, %eq3A_65 : i32
      %select_n3A_67 = arith.constant 8 : i32
      %select_n3A_68 = arith.select %eq3A_66, %select_n3A_67, %select_n3A_64 : i32
      %add3A_69 = arith.addi %select_n3A_68, %mul3A_0 : i32
      %sub3A_70 = arith.constant 1 : i32
      %sub3A_71 = arith.subi %select_n3A_68, %sub3A_70 : i32
      %select_n3A_72 = arith.constant true
      %select_n3A_73 = arith.select %select_n3A_72, %sub3A_71, %select_n3A_68 : i32
      %eq3A_74 = arith.constant -1 : i32
      %eq3A_75 = arith.cmpi eq, %select_n3A_73, %eq3A_74 : i32
      %select_n3A_76 = arith.constant 8 : i32
      %select_n3A_77 = arith.select %eq3A_75, %select_n3A_76, %select_n3A_73 : i32
      %add3A_78 = arith.addi %select_n3A_77, %mul3A_0 : i32
      %add3A_79 = arith.constant 1 : i32
      %add3A_80 = arith.addi %select_n3A_68, %add3A_79 : i32
      %select_n3A_81 = arith.constant true
      %select_n3A_82 = arith.select %select_n3A_81, %add3A_80, %select_n3A_68 : i32
      %eq3A_83 = arith.constant 9 : i32
      %eq3A_84 = arith.cmpi eq, %select_n3A_82, %eq3A_83 : i32
      %select_n3A_85 = arith.constant 0 : i32
      %select_n3A_86 = arith.select %eq3A_84, %select_n3A_85, %select_n3A_82 : i32
      %add3A_87 = arith.addi %select_n3A_86, %mul3A_0 : i32
      %add3A_88 = arith.constant 1 : i32
      %add3A_89 = arith.addi %select_n3A_86, %add3A_88 : i32
      %select_n3A_90 = arith.constant true
      %select_n3A_91 = arith.select %select_n3A_90, %add3A_89, %select_n3A_86 : i32
      %eq3A_92 = arith.constant 9 : i32
      %eq3A_93 = arith.cmpi eq, %select_n3A_91, %eq3A_92 : i32
      %select_n3A_94 = arith.constant 0 : i32
      %select_n3A_95 = arith.select %eq3A_93, %select_n3A_94, %select_n3A_91 : i32
      %add3A_96 = arith.addi %select_n3A_95, %mul3A_0 : i32
      "tpu.trace_start"() <{level = 10 : i32, message = "ep_finalize"}> : () -> ()
      %rem3A_97 = arith.constant 2 : i32
      %rem3A_98 = arith.remui %scan3A_60#3, %rem3A_97 : i32
      %mul3A_99 = arith.constant 128 : i32
      %mul3A_100 = arith.muli %mul3A_99, %add3A_69 : i32
      %dma_wait3A = arith.constant 0 : i32
      %dma_wait3A_101 = arith.constant 0 : i32
      %dma_wait3A_102 = tpu.memref_slice %run_scoped3A_2[%rem3A_98, %dma_wait3A, %dma_wait3A_101] : memref<2x128x256xf32, #tpu.memory_space<vmem>> -> memref<1x128x256xf32, #tpu.memory_space<vmem>>
      %dma_wait3A_103 = tpu.memref_squeeze %dma_wait3A_102 : memref<1x128x256xf32, #tpu.memory_space<vmem>> -> memref<128x256xf32, #tpu.memory_space<vmem>>
      %dma_wait3A_104 = arith.constant 0 : i32
      %dma_wait3A_105 = tpu.memref_slice %arg4[%mul3A_100, %dma_wait3A_104] : memref<18432x256xf32, #tpu.memory_space<hbm>> -> memref<128x256xf32, #tpu.memory_space<hbm>>
      %dma_wait3A_106 = tpu.memref_slice %run_scoped3A_3[%rem3A_98] : memref<2x!tpu.dma_semaphore, #tpu.memory_space<semaphore_mem>> -> memref<1x!tpu.dma_semaphore, #tpu.memory_space<semaphore_mem>>
      %dma_wait3A_107 = tpu.memref_squeeze %dma_wait3A_106 : memref<1x!tpu.dma_semaphore, #tpu.memory_space<semaphore_mem>> -> memref<!tpu.dma_semaphore, #tpu.memory_space<semaphore_mem>>
      %dma_wait3A_108 = arith.constant 0 : i32
      %dma_wait3A_109 = tpu.memref_slice %arg4[%mul3A_100, %dma_wait3A_108] : memref<18432x256xf32, #tpu.memory_space<hbm>> -> memref<128x256xf32, #tpu.memory_space<hbm>>
      %dma_wait3A_110 = arith.constant 0 : i32
      %dma_wait3A_111 = arith.constant 0 : i32
      %dma_wait3A_112 = tpu.memref_slice %run_scoped3A_2[%rem3A_98, %dma_wait3A_110, %dma_wait3A_111] : memref<2x128x256xf32, #tpu.memory_space<vmem>> -> memref<1x128x256xf32, #tpu.memory_space<vmem>>
      %dma_wait3A_113 = tpu.memref_squeeze %dma_wait3A_112 : memref<1x128x256xf32, #tpu.memory_space<vmem>> -> memref<128x256xf32, #tpu.memory_space<vmem>>
      tpu.wait_dma2 semaphore(%dma_wait3A_107 : memref<!tpu.dma_semaphore, #tpu.memory_space<semaphore_mem>>) src(%dma_wait3A_113 : memref<128x256xf32, #tpu.memory_space<vmem>>) dst(%dma_wait3A_109 : memref<128x256xf32, #tpu.memory_space<hbm>>)
      "tpu.trace_stop"() : () -> ()
      tpu.yield
    }) : () -> ()
    return
  }
}

module attributes {stable_mosaic.version = 14 : i64} {
  func.func @_vq_body(%arg0: i32, %arg1: memref<2x256x576xf32, #tpu.memory_space<vmem>>, %arg2: memref<1024x256xf32, #tpu.memory_space<vmem>>, %arg3: memref<2x1x576xi32, #tpu.memory_space<vmem>>) attributes {dimension_semantics = [#tpu.dimension_semantics<arbitrary>], iteration_bounds = array<i64: 16>, scalar_prefetch = 0 : i64, scratch_operands = 0 : i64, tpu.core_type = #tpu.core_type<tc>, window_params = [{transform_indices = @transform_0, window_bounds = array<i64: 2, 256, 576>}, {pipeline_mode = #tpu.pipeline_mode<synchronous>, transform_indices = @transform_1, window_bounds = array<i64: 1024, 256>}, {transform_indices = @transform_2, window_bounds = array<i64: 2, 1, 576>}]} {
    %get3A = arith.constant 0 : index
    %get3A_0 = arith.constant 0 : index
    %get3A_1 = vector.load %arg2[%get3A, %get3A_0] : memref<1024x256xf32, #tpu.memory_space<vmem>>, vector<1024x256xf32>
    %mul3A = arith.mulf %get3A_1, %get3A_1 : vector<1024x256xf32>
    %reduce_sum3A = arith.constant dense<0.000000e+00> : vector<1024xf32>
    %reduce_sum3A_2 = vector.multi_reduction <add>, %mul3A, %reduce_sum3A [1] : vector<1024x256xf32> to vector<1024xf32>
    %broadcast_in_dim3A = vector.shape_cast %reduce_sum3A_2 : vector<1024xf32> to vector<1024x1xf32>
    %get3A_3 = arith.constant 0 : index
    %get3A_4 = arith.constant 0 : index
    %get3A_5 = arith.constant 0 : index
    %get3A_6 = vector.load %arg1[%get3A_3, %get3A_4, %get3A_5] : memref<2x256x576xf32, #tpu.memory_space<vmem>>, vector<1x256x576xf32>
    %get3A_7 = vector.shape_cast %get3A_6 : vector<1x256x576xf32> to vector<256x576xf32>
    %dot_general3A = arith.constant dense<0.000000e+00> : vector<1024x576xf32>
    %dot_general3A_8 = tpu.matmul %get3A_1, %get3A_7, %dot_general3A {dimension_numbers = #tpu.dot_dimension_numbers<[1], [0], [0], [1], [0, 0, 1, 1], [], []>, transpose_lhs_hint = false} : vector<1024x256xf32>, vector<256x576xf32>, vector<1024x576xf32> -> vector<1024x576xf32>
    %mul3A_9 = arith.mulf %get3A_7, %get3A_7 : vector<256x576xf32>
    %slice3A = vector.extract_strided_slice %mul3A_9 {offsets = [0, 0], sizes = [128, 576], strides = [1, 1]} : vector<256x576xf32> to vector<128x576xf32>
    %slice3A_10 = vector.extract_strided_slice %mul3A_9 {offsets = [128, 0], sizes = [128, 576], strides = [1, 1]} : vector<256x576xf32> to vector<128x576xf32>
    %add3A = arith.addf %slice3A, %slice3A_10 : vector<128x576xf32>
    %transpose3A = tpu.transpose %add3A, [1, 0] : vector<128x576xf32> -> vector<576x128xf32>
    %reduce_sum3A_11 = arith.constant dense<0.000000e+00> : vector<576xf32>
    %reduce_sum3A_12 = vector.multi_reduction <add>, %transpose3A, %reduce_sum3A_11 [1] : vector<576x128xf32> to vector<576xf32>
    %broadcast_in_dim3A_13 = vector.shape_cast %reduce_sum3A_12 : vector<576xf32> to vector<576x1xf32>
    %transpose3A_14 = tpu.transpose %broadcast_in_dim3A_13, [1, 0] : vector<576x1xf32> -> vector<1x576xf32>
    %mul3A_15 = arith.constant 2.000000e+00 : f32
    %mul3A_16 = vector.broadcast %mul3A_15 : f32 to vector<1024x576xf32>
    %mul3A_17 = arith.mulf %mul3A_16, %dot_general3A_8 : vector<1024x576xf32>
    %sub3A = vector.broadcast %transpose3A_14 : vector<1x576xf32> to vector<1024x576xf32>
    %sub3A_18 = arith.subf %sub3A, %mul3A_17 : vector<1024x576xf32>
    %add3A_19 = vector.broadcast %broadcast_in_dim3A : vector<1024x1xf32> to vector<1024x576xf32>
    %add3A_20 = arith.addf %sub3A_18, %add3A_19 : vector<1024x576xf32>
    %reduce_min3A = arith.constant dense<0x7F800000> : vector<576xf32>
    %reduce_min3A_21 = vector.multi_reduction <minimumf>, %add3A_20, %reduce_min3A [0] : vector<1024x576xf32> to vector<576xf32>
    %broadcast_in_dim3A_22 = vector.shape_cast %reduce_min3A_21 : vector<576xf32> to vector<1x576xf32>
    %iota3A = tpu.iota {dimensions = array<i32: 0>} : vector<1024x576xi32>
    %eq3A = vector.broadcast %broadcast_in_dim3A_22 : vector<1x576xf32> to vector<1024x576xf32>
    %eq3A_23 = arith.cmpf oeq, %add3A_20, %eq3A : vector<1024x576xf32>
    %jit3A = arith.constant 1024 : i32
    %broadcast_in_dim3A_24 = vector.broadcast %jit3A : i32 to vector<1024x576xi32>
    %select_n3A = arith.select %eq3A_23, %iota3A, %broadcast_in_dim3A_24 : vector<1024x576xi1>, vector<1024x576xi32>
    %reduce_min3A_25 = arith.constant dense<2147483647> : vector<576xi32>
    %reduce_min3A_26 = vector.multi_reduction <minsi>, %select_n3A, %reduce_min3A_25 [0] : vector<1024x576xi32> to vector<576xi32>
    %swap3A = arith.constant 0 : index
    %swap3A_27 = arith.constant 0 : index
    %swap3A_28 = arith.constant 0 : index
    %swap3A_29 = vector.load %arg3[%swap3A, %swap3A_27, %swap3A_28] : memref<2x1x576xi32, #tpu.memory_space<vmem>>, vector<1x1x576xi32>
    %swap3A_30 = vector.shape_cast %swap3A_29 : vector<1x1x576xi32> to vector<576xi32>
    %swap3A_31 = vector.shape_cast %reduce_min3A_26 : vector<576xi32> to vector<1x1x576xi32>
    tpu.vector_store %arg3[%swap3A, %swap3A_27, %swap3A_28], %swap3A_31 {strides = array<i32>} : memref<2x1x576xi32, #tpu.memory_space<vmem>>, vector<1x1x576xi32>,
    %get3A_32 = arith.constant 1 : index
    %get3A_33 = arith.constant 0 : index
    %get3A_34 = arith.constant 0 : index
    %get3A_35 = vector.load %arg1[%get3A_32, %get3A_33, %get3A_34] : memref<2x256x576xf32, #tpu.memory_space<vmem>>, vector<1x256x576xf32>
    %get3A_36 = vector.shape_cast %get3A_35 : vector<1x256x576xf32> to vector<256x576xf32>
    %dot_general3A_37 = arith.constant dense<0.000000e+00> : vector<1024x576xf32>
    %dot_general3A_38 = tpu.matmul %get3A_1, %get3A_36, %dot_general3A_37 {dimension_numbers = #tpu.dot_dimension_numbers<[1], [0], [0], [1], [0, 0, 1, 1], [], []>, transpose_lhs_hint = false} : vector<1024x256xf32>, vector<256x576xf32>, vector<1024x576xf32> -> vector<1024x576xf32>
    %mul3A_39 = arith.mulf %get3A_36, %get3A_36 : vector<256x576xf32>
    %slice3A_40 = vector.extract_strided_slice %mul3A_39 {offsets = [0, 0], sizes = [128, 576], strides = [1, 1]} : vector<256x576xf32> to vector<128x576xf32>
    %slice3A_41 = vector.extract_strided_slice %mul3A_39 {offsets = [128, 0], sizes = [128, 576], strides = [1, 1]} : vector<256x576xf32> to vector<128x576xf32>
    %add3A_42 = arith.addf %slice3A_40, %slice3A_41 : vector<128x576xf32>
    %transpose3A_43 = tpu.transpose %add3A_42, [1, 0] : vector<128x576xf32> -> vector<576x128xf32>
    %reduce_sum3A_44 = arith.constant dense<0.000000e+00> : vector<576xf32>
    %reduce_sum3A_45 = vector.multi_reduction <add>, %transpose3A_43, %reduce_sum3A_44 [1] : vector<576x128xf32> to vector<576xf32>
    %broadcast_in_dim3A_46 = vector.shape_cast %reduce_sum3A_45 : vector<576xf32> to vector<576x1xf32>
    %transpose3A_47 = tpu.transpose %broadcast_in_dim3A_46, [1, 0] : vector<576x1xf32> -> vector<1x576xf32>
    %mul3A_48 = arith.constant 2.000000e+00 : f32
    %mul3A_49 = vector.broadcast %mul3A_48 : f32 to vector<1024x576xf32>
    %mul3A_50 = arith.mulf %mul3A_49, %dot_general3A_38 : vector<1024x576xf32>
    %sub3A_51 = vector.broadcast %transpose3A_47 : vector<1x576xf32> to vector<1024x576xf32>
    %sub3A_52 = arith.subf %sub3A_51, %mul3A_50 : vector<1024x576xf32>
    %add3A_53 = vector.broadcast %broadcast_in_dim3A : vector<1024x1xf32> to vector<1024x576xf32>
    %add3A_54 = arith.addf %sub3A_52, %add3A_53 : vector<1024x576xf32>
    %reduce_min3A_55 = arith.constant dense<0x7F800000> : vector<576xf32>
    %reduce_min3A_56 = vector.multi_reduction <minimumf>, %add3A_54, %reduce_min3A_55 [0] : vector<1024x576xf32> to vector<576xf32>
    %broadcast_in_dim3A_57 = vector.shape_cast %reduce_min3A_56 : vector<576xf32> to vector<1x576xf32>
    %iota3A_58 = tpu.iota {dimensions = array<i32: 0>} : vector<1024x576xi32>
    %eq3A_59 = vector.broadcast %broadcast_in_dim3A_57 : vector<1x576xf32> to vector<1024x576xf32>
    %eq3A_60 = arith.cmpf oeq, %add3A_54, %eq3A_59 : vector<1024x576xf32>
    %jit3A_61 = arith.constant 1024 : i32
    %broadcast_in_dim3A_62 = vector.broadcast %jit3A_61 : i32 to vector<1024x576xi32>
    %select_n3A_63 = arith.select %eq3A_60, %iota3A_58, %broadcast_in_dim3A_62 : vector<1024x576xi1>, vector<1024x576xi32>
    %reduce_min3A_64 = arith.constant dense<2147483647> : vector<576xi32>
    %reduce_min3A_65 = vector.multi_reduction <minsi>, %select_n3A_63, %reduce_min3A_64 [0] : vector<1024x576xi32> to vector<576xi32>
    %swap3A_66 = arith.constant 1 : index
    %swap3A_67 = arith.constant 0 : index
    %swap3A_68 = arith.constant 0 : index
    %swap3A_69 = vector.load %arg3[%swap3A_66, %swap3A_67, %swap3A_68] : memref<2x1x576xi32, #tpu.memory_space<vmem>>, vector<1x1x576xi32>
    %swap3A_70 = vector.shape_cast %swap3A_69 : vector<1x1x576xi32> to vector<576xi32>
    %swap3A_71 = vector.shape_cast %reduce_min3A_65 : vector<576xi32> to vector<1x1x576xi32>
    tpu.vector_store %arg3[%swap3A_66, %swap3A_67, %swap3A_68], %swap3A_71 {strides = array<i32>} : memref<2x1x576xi32, #tpu.memory_space<vmem>>, vector<1x1x576xi32>,
    return
  }
  func.func @transform_0(%arg0: i32) -> (i32, i32, i32) {
    %c0_i32 = arith.constant 0 : i32
    %c0_i32_0 = arith.constant 0 : i32
    %c0_i32_1 = arith.constant 0 : i32
    return %arg0, %c0_i32, %c0_i32_0 : i32, i32, i32
  }
  func.func @transform_1(%arg0: i32) -> (i32, i32) {
    %c0_i32 = arith.constant 0 : i32
    %c0_i32_0 = arith.constant 0 : i32
    %c0_i32_1 = arith.constant 0 : i32
    return %c0_i32, %c0_i32_0 : i32, i32
  }
  func.func @transform_2(%arg0: i32) -> (i32, i32, i32) {
    %c0_i32 = arith.constant 0 : i32
    %c0_i32_0 = arith.constant 0 : i32
    %c0_i32_1 = arith.constant 0 : i32
    return %arg0, %c0_i32, %c0_i32_0 : i32, i32, i32
  }
}

</mosaic_0001>

<sc_bundles>
// kernel: kernel.4.cloned.1.call-start
scs
__scs_entry_jumppad:
0x0: {  	(pc) =	sbr.rel $0x88, $3  }
0x1: {  	(tag) =	ssettag $0x0;
	lr =	simm.s32 $0x1  }
0x2: {  	[smem:$0x3F9F] =	sst lr;
	_ =	strace $0xD0000000  }
0x3: {  	_ = 	snop  }
0x4: {  	_ = 	snop  }
0x5: {  	_ = 	snop  }
0x6: {  	_ = 	snop  }
0x7: {  	_ = 	snop  }
__scs_overlays_trampoline_lowered:
0x8: {  	[smem:$0x3FAE] =	sst s0  }
0x9: {  	[smem:$0x3FAF] =	sst s1  }
0xa: {  	[smem:$0x3FB0] =	sst s2  }
0xb: {  	[smem:$0x3FB1] =	sst s3  }
0xc: {  	[smem:$0x3FB2] =	sst s4  }
0xd: {  	[smem:$0x3FB3] =	sst s5  }
0xe: {  	[smem:$0x3FB4] =	sst s6  }
0xf: {  	[smem:$0x3FB5] =	sst s7  }
0x10: {  	[smem:$0x3FB6] =	sst s8  }
0x11: {  	[smem:$0x3FB7] =	sst s9;
	s0 =	simm.s32 @!p0 $0x0  }
0x12: {  	s1 =	sld [smem:$0x3F9D];
	s0 =	simm.s32 @p0 $0x1  }
0x13: {  	[smem:$0x3FB8] =	sst s0;
	s0 =	simm.s32 @!p1 $0x0  }
0x14: {  	s2 =	sld [smem:$0x3F9C];
	s0 =	simm.s32 @p1 $0x1  }
0x15: {  	[smem:$0x3FB9] =	sst s0;
	s0 =	simm.s32 @!p2 $0x0  }
0x16: {  	s3 =	sld [smem:$0x3FDB];
	s0 =	simm.s32 @p2 $0x1  }
0x17: {  	s4 =	simm.s32 $0x1BF5;
	[smem:$0x3FBB] =	sst s0  }
0x18: {  	s0 =	sld [smem:$0x3F9E];
	_ =	swait.ge [sflag:s4], $0x0  }
0x19: {  	s7 =	sld [smem:$0x3F9F]  }
0x1a: {  	s8 =	sadd.s32 $0xFFFFE003, lr  }
0x1b: {  	s9 =	sadd.s32 $0xFFFFFEF7, lr;
	s5 =	simm.s32 $0xFFFFFFFF;
	p2 =	slt.u32 s8, $0xFFFFF086  }
0x1c: {  	p1 =	slt.u32 s9, $0xF7A;
	s5 =	simm.s32 @!p2 $0x0  }
0x1d: {  	s5 =	simm.s32 @p1 $0x1;
	p0 =	seq.s32 s7, s2  }
0x1e: {  	s7 =	smul.u32 @!p0 $0xF7A, s2;
	p2 =	seq.s32 @!p0 s5, $0x0  }
0x1f: {  	s9 =	smul.u32 $0xF7A, s1;
	s8 =	simm.s32 @!p0 $0x1BF5;
	p2 =	por !p2, p0  }
0x20: {  	[sflag:s8] =	ssyncset.s32 @!p0 $0xFFFFF086;
	s6 =	sadd.s32 @!p0 s3, s7;
	s7 =	simm.s32 @!p0 $0x108  }
0x21: {  	s3 =	sadd.s32 s3, s9;
	s6 =	sadd.s32 @!p0 $0x88, s6;
	s7 =	simm.s32 @p2 $0x1082  }
0x22: {  	[simem:s7], [sflag:s8] =	dma.local @!p0 [hbm:s6], $0xF7A  }
0x23: {  	s9 =	sor.u32 $0xD0000000, s2;
	s6 =	simm.s32 $0x108;
	_ =	swait.ge @!p0 [sflag:s8], $0x0  }
0x24: {  	s3 =	sadd.s32 $0x88, s3;
	s6 =	simm.s32 @!p1 $0x1082;
	[sflag:s4] =	ssyncset.s32 $0xFFFFF086  }
0x25: {  	[simem:s6], [sflag:s4] =	dma.local [hbm:s3], $0xF7A  }
0x26: {  	[smem:$0x3F9F] =	sst s1;
	(tag) =	ssettag s2;
	_ =	strace s9  }
0x27: {  	s1 =	sld [smem:$0x3FAF]  }
0x28: {  	s2 =	sld [smem:$0x3FB0]  }
0x29: {  	s4 =	sld [smem:$0x3FB2]  }
0x2a: {  	p0 =	seq.s32 s5, $0x0;
	s5 =	sld [smem:$0x3FB3]  }
0x2b: {  	s6 =	sld [smem:$0x3FB4]  }
0x2c: {  	s7 =	sld [smem:$0x3FB5]  }
0x2d: {  	s3 =	simm.s32 $0x108;
	s8 =	sld [smem:$0x3FB6]  }
0x2e: {  	s3 =	simm.s32 @!p0 $0x1082;
	s9 =	sld [smem:$0x3FB7]  }
0x2f: {  	lr =	sadd.s32 s0, s3;
	s0 =	sld [smem:$0x3FAE]  }
0x30: {  	s3 =	sld [smem:$0x3FB1]  }
0x31: {  	[smem:$0x3FBA] =	sst s10  }
0x32: {  	s10 =	sld [smem:$0x3FB8];
	_ =	sdelay $0x3  }
0x33: {  	p0 =	seq.s32 s10, $0x1;
	s10 =	sld [smem:$0x3FBA];
	_ =	sdelay $0x3  }
0x34: {  	[smem:$0x3FBA] =	sst s10  }
0x35: {  	s10 =	sld [smem:$0x3FB9];
	_ =	sdelay $0x3  }
0x36: {  	p1 =	seq.s32 s10, $0x1;
	s10 =	sld [smem:$0x3FBA];
	_ =	sdelay $0x3  }
0x37: {  	[smem:$0x3FBA] =	sst s10  }
0x38: {  	s10 =	sld [smem:$0x3FBB]  }
0x39: {  	_ = 	snop;
	(pc) =	sbr.ind lr, $3  }
0x3a: {  	_ = 	snop  }
0x3b: {  	_ = 	snop  }
0x3c: {  	p2 =	seq.s32 s10, $0x1;
	s10 =	sld [smem:$0x3FBA]  }
0x3d: {  	_ =	shalt  }
0x3e: {  	_ =	shalt  }
0x3f: {  	_ =	shalt  }
0x40: {  	_ =	shalt  }
0x41: {  	_ =	shalt  }
0x42: {  	_ =	shalt  }
0x43: {  	_ =	shalt  }
0x44: {  	_ =	shalt  }
0x45: {  	_ =	shalt  }
0x46: {  	_ =	shalt  }
0x47: {  	_ =	shalt  }
0x48: {  	_ =	shalt  }
0x49: {  	_ =	shalt  }
0x4a: {  	_ =	shalt  }
0x4b: {  	_ =	shalt  }
0x4c: {  	_ =	shalt  }
0x4d: {  	_ =	shalt  }
0x4e: {  	_ =	shalt  }
0x4f: {  	_ =	shalt  }
0x50: {  	_ =	shalt  }
0x51: {  	_ =	shalt  }
0x52: {  	_ =	shalt  }
0x53: {  	_ =	shalt  }
0x54: {  	_ =	shalt  }
0x55: {  	_ =	shalt  }
0x56: {  	_ =	shalt  }
0x57: {  	_ =	shalt  }
0x58: {  	_ =	shalt  }
0x59: {  	_ =	shalt  }
0x5a: {  	_ =	shalt  }
0x5b: {  	_ =	shalt  }
0x5c: {  	_ =	shalt  }
0x5d: {  	_ =	shalt  }
0x5e: {  	_ =	shalt  }
0x5f: {  	_ =	shalt  }
0x60: {  	_ =	shalt  }
0x61: {  	_ =	shalt  }
0x62: {  	_ =	shalt  }
0x63: {  	_ =	shalt  }
0x64: {  	_ =	shalt  }
0x65: {  	_ =	shalt  }
0x66: {  	_ =	shalt  }
0x67: {  	_ =	shalt  }
0x68: {  	_ =	shalt  }
0x69: {  	_ =	shalt  }
0x6a: {  	_ =	shalt  }
0x6b: {  	_ =	shalt  }
0x6c: {  	_ =	shalt  }
0x6d: {  	_ =	shalt  }
0x6e: {  	_ =	shalt  }
0x6f: {  	_ =	shalt  }
0x70: {  	_ =	shalt  }
0x71: {  	_ =	shalt  }
0x72: {  	_ =	shalt  }
0x73: {  	_ =	shalt  }
0x74: {  	_ =	shalt  }
0x75: {  	_ =	shalt  }
0x76: {  	_ =	shalt  }
0x77: {  	_ =	shalt  }
0x78: {  	_ =	shalt  }
0x79: {  	_ =	shalt  }
0x7a: {  	_ =	shalt  }
0x7b: {  	_ =	shalt  }
0x7c: {  	_ =	shalt  }
0x7d: {  	_ =	shalt  }
0x7e: {  	_ =	shalt  }
0x7f: {  	_ =	shalt  }
0x80: {  	_ =	shalt  }
0x81: {  	_ =	shalt  }
0x82: {  	_ =	shalt  }
0x83: {  	_ =	shalt  }
0x84: {  	_ =	shalt  }
0x85: {  	_ =	shalt  }
0x86: {  	_ =	shalt  }
0x87: {  	_ =	shalt  }
.Lfunc_end0:
.L_simem_size_0:
called_computation_lowered:
.L_overlay_start_0:
0x88: {  	s2 =	sld [smem:$0x3FD9]  }
0x89: {  	s3 =	sld [smem:$0x3FFE];
	_ =	sdelay $0x1  }
0x8a: {  	s1 =	srdreg.scid  }
0x8b: {  	s0 =	sand.u32 $0x1, s1  }
0x8c: {  	s14 =	sshll.u32 s0, $0xA;
	s2 =	sadd.s32 s3, s2  }
0x8d: {  	s2 =	sadd.s32 s2, s14  }
0x8e: {  	[smem:$0x3FC6] =	sst s2  }
0x8f: {  	_ = 	snop  }
0x90: {  	s2 =	sld [smem:$0x3FD0];
	_ =	sdelay $0x2  }
0x91: {  	s4 =	simm.s32 $0xA;
	s5 =	simm.s32 $0x10;
	s15 =	sld [smem:$0x3FC8]  }
0x92: {  	[smem:s5], [sflag:s4] =	dma.local [hbm:s2], $0x1  }
0x93: {  	_ =	swait.eq [sflag:s4], $0x1  }
0x94: {  	[sflag:s4] =	ssyncset.done $0x0  }
0x95: {  	[sflag:s4] =	ssyncadd.s32 $0xFFFFFFFF  }
0x96: {  	s16 =	sld [smem:$0x10];
	(tm) =	ssettm $0x1  }
0x97: {  	s17 =	sld [smem:$0x3FFB];
	_ =	sdelay $0x3  }
0x98: {  	_ =	strace s17  }
0x99: {  	s4 =	sld [smem:$0x3FFC];
	_ =	sdelay $0x3  }
0x9a: {  	_ =	strace s4  }
0x9b: {  	s4 =	sld [smem:$0x3FFD];
	_ =	sdelay $0x3  }
0x9c: {  	_ =	strace s4  }
0x9d: {  	_ =	strace $0x8FFFFFFF  }
0x9e: {  	s18 =	sld [smem:$0x3FDB];
	_ =	sdelay $0x1  }
0x9f: {  	s19 =	simm.s32 $_scs_section_size  }
0xa0: {  	s6 =	simm.s32 $_size__tile_overlayer_lowered;
	s7 =	simm.s32 $_tile_overlayer_lowered  }
0xa1: {  	s22 =	simm.s32 $0x1BFF;
	s21 =	sshll.u32 s7, $0x1;
	s4 =	sadd.s32 s19, s18  }
0xa2: {  	s8 =	simm.s32 $0x0;
	s20 =	sshll.u32 s6, $0x1;
	s6 =	sadd.s32 s21, s4  }
0xa3: {  	[timem:s8], [sflag:s22] =	dma.local [hbm:s6], s20  }
0xa4: {  	_ =	swait.ge [sflag:s22], s20  }
0xa5: {  	s5 =	ssub.s32 $0x0, s20;
	[sflag:s22] =	ssyncset.done $0x0  }
0xa6: {  	[sflag:s22] =	ssyncadd.s32 s5;
	_ =	sdelay $0x1  }
0xa7: {  	s23 =	simm.s32 $0x1B8B  }
0xa8: {  	_ =	swait.ge [sflag:s23], $0x1  }
0xa9: {  	[sflag:s23] =	ssyncset.done $0x0  }
0xaa: {  	s25 =	simm.s32 $0x1B8E;
	s24 =	sld [smem:$0x3FFE];
	[sflag:s23] =	ssyncadd.s32 $0xFFFFFFFF  }
0xab: {  	s26 =	simm.s32 $execute0_lowered;
	[smem:$0x3FD2] =	sst s25  }
0xac: {  	s6 =	sshll.u32 s26, $0x1;
	_ =	strace $0x80000046;
	[dreg:$0x1] =	wrdreg $0xFFFFFFFF  }
0xad: {  	s28 =	simm.s32 $_size_execute0_lowered;
	s4 =	sadd.s32 s4, s6;
	[dreg:$0x0] =	wrdreg $0x0  }
0xae: {  	s6 =	sshll.u32 s28, $0x1;
	[dreg:$0x2] =	wrdreg s4  }
0xaf: {  	[dreg:$0x3] =	wrdreg s6  }
0xb0: {  	[dreg:$0x4] =	wrdreg $0xC0  }
0xb1: {  	_ =	task [dreg:s8], $0x5FFFF  }
0xb2: {  	[dreg:$0x1] =	wrdreg $0xFFFFFFFF  }
0xb3: {  	[dreg:$0x0] =	wrdreg $0x60  }
0xb4: {  	[dreg:$0x2] =	wrdreg s15  }
0xb5: {  	[dreg:$0x3] =	wrdreg s24  }
0xb6: {  	[dreg:$0x4] =	wrdreg s16  }
0xb7: {  	[dreg:$0x5] =	wrdreg $0x9  }
0xb8: {  	_ =	task.clear_ibuf [dreg:s8], $0x6FFFF;
	_ =	strace $0x90000046  }
0xb9: {  	s29 =	simm.s32 $0x9;
	_ =	strace $0x8000004F  }
0xba: {  	_ =	swait.ge [sflag:s29], $0x1  }
0xbb: {  	[sflag:s29] =	ssyncadd.s32 $0xFFFFFFFF  }
0xbc: {  	_ =	strace $0x9000004F  }
0xbd: {  	_ =	sfence  }
0xbe: {  	s30 =	sld [smem:$0x0];
	_ =	sdelay $0x2  }
0xbf: {  	s31 =	sshll.u32 s1, $0xD;
	s1 =	sshrl.u32 s1, $0x2  }
0xc0: {  	s3 =	sand.u32 $0x4000, s31;
	s1 =	sadd.s32 s1, s30  }
0xc1: {  	s0 =	sor.u32 s3, s0;
	s1 =	sshll.u32 s1, $0x11  }
0xc2: {  	s0 =	sor.u32 s1, s0  }
0xc3: {  	s0 =	sadd.s32 $0x8F2B, s0  }
0xc4: {  	[sflag:s0] =	ssyncadd.remote.s32 $0x1  }
0xc5: {  	_ =	sfence.sel $0xFFFF  }
0xc6: {  	[dreg:$0x0] =	wrdreg $0xFFFFFFFF;
	(pc) =	sbr.abs _section_cstart, $3  }
0xc7: {  	[dreg:$0x1] =	wrdreg $0xFFFFFFFF  }
0xc8: {  	_ =	task.clear_ibuf [dreg:s8], $0x2FFFF;
	_ =	strace $0x9FFFFFFF  }
0xc9: {  	(tm) =	ssettm $0x7FFFFFFF  }
tec
execute0_lowered:
.L_overlay_start_1:
0x0: {  	(tag) =	ssettag $0x1  }
0x1: {  	s1 =	rddreg [dreg:$0x0]  }
0x2: {  	s4 =	rddreg [dreg:$0x1]  }
0x3: {  	s0 =	rddreg [dreg:$0x2];
	s2 =	srdreg.scid  }
0x4: {  	s3 =	simm.s32 $0x0;
	s9 =	simm.s32 $0x3;
	[dreg:$0x4] =	wrdreg s0  }
0x5: {  	s10 =	simm.s32 $0x0;
	s0 =	rddreg [dreg:$0x3];
	s5 =	sand.u32 $0x1, s2  }
0x6: {  	s2 =	stileid.u32;
	[smem:$0x7FF] =	sst s3;
	s5 =	ssub.s32 $0x2, s5  }
0x7: {  	v2 =	vlaneseq.u32;
	s4 =	sadd.s32 $0x200, s4;
	s7 =	smul.u32 $0x90, s2;
	s6 =	sshrl.u32 s5, $0x1  }
0x8: {  	vm0 =	vmmov $0xffff;
	v1 =	vshrl.u32 v2, $0x3;
	_ =	strace $0x80000047;
	s8 =	ssub.s32 s5, s6;
	s5 =	smul.u32 $0x9, s2  }
0x9: {  	v0 =	vand.u32 $0x7, v2;
	v2 =	vor.u32 $0x8, v2;
	v1 =	vmul.u32 $0x8, v1;
	s6 =	sadd.s32 s4, s7;
	s7 =	smax.u32 s8, $0x1;
	s8 =	simm.s32 $0x5  }
.LBB2_1:
0xa: {  	_ =	strace $0x80000048;
	s11 =	simm.s32 $0x8  }
0xb: {  	s12 =	simm.s32 $0x0;
	s13 =	simm.s32 $0x0;
	s14 =	simm.s32 $0x0  }
0xc: {  	[tilespmem:s3], [sflag:$0x1] =	stream.linear.gather [hbm4b:s6+s3], $0x80, $0x200038;
	[tilespmem:$0x10100] =	vst v63  }
0xd: {  	s15 =	simm.s32 $0x0;
	s16 =	simm.s32 $0x1;
	_ =	strace $0x90000048  }
.LBB2_2:
0xe: {  	s17 =	smov.u32 s12;
	s12 =	sadd.s32 $0x1, s12  }
0xf: {  	p0 =	seq.s32 s12, $0x9  }
0x10: {  	s12 =	simm.s32 @p0 $0x0  }
0x11: {  	p6 =	sne.s32 s11, $0x0;
	p1 =	sne.s32 s17, s12  }
0x12: {  	p0 =	por !p6, !p1  }
0x13: {  	p0 =	por !p0, !p0  }
0x14: {  	s18 =	sadd.s32 @p0 s5, s12  }
0x15: {  	s19 =	sand.u32 @p0 $0x1, s16;
	s18 =	sshll.u32 @p0 s18, $0x4  }
0x16: {  	_ =	strace @p0 $0x80000049;
	s21 =	simm.s32 @p0 $0x0;
	s18 =	sand.u32 @p0 $0x1FFFFFF0, s18  }
0x17: {  	s20 =	sshll.u32 @p0 s19, $0x7;
	s19 =	sadd.s32 @p0 $0x1, s19;
	s18 =	sadd.s32 @p0 s4, s18  }
0x18: {  	[tilespmem:s20], [sflag:s19] =	stream.linear.gather @p0 [hbm4b:s18+s21], $0x80, $0x200038;
	[tilespmem:$0x10100] =	vst v63  }
0x19: {  	s24 =	sand.u32 $0x1, s15;
	_ =	strace @p0 $0x90000049  }
0x1a: {  	s18 =	sadd.s32 $0x1, s24;
	_ =	strace $0x8000004A  }
0x1b: {  	_ =	swait.ge [sflag:s18], $0x80  }
0x1c: {  	[sflag:s18] =	ssyncset.done $0x0  }
0x1d: {  	[sflag:s18] =	ssyncadd.s32 $0xFFFFFF80  }
0x1e: {  	s25 =	sshll.u32 s15, $0x7;
	_ =	strace $0x9000004A  }
0x1f: {  	s21 =	sand.u32 $0x80, s25;
	_ =	strace $0x8000004B  }
0x20: {  	v3 =	vld [tilespmem:s21+$0x0];
	_ =	sdelay $0x4  }
0x21: {  	v4 =	vshll.u32 v3, $0x1  }
0x22: {  	v3 =	vand.u32 $0x7, v3;
	v4 =	vand.u32 $0xFFFFFFF0, v4  }
0x23: {  	v3 =	vor.u32 v3, v4  }
0x24: {  	v4 =	vperm.xlane v3, v0;
	_ =	sdelay $0x1  }
0x25: {  	v3 =	vperm.xlane v3, v2;
	v4 =	vadd.s32 v1, v4;
	_ =	sdelay $0x1  }
0x26: {  	s18 =	sand.u32 $0x1, s14;
	v3 =	vadd.s32 v1, v3  }
0x27: {  	s20 =	sshll.u32 s18, $0xF  }
0x28: {  	s19 =	sor.u32 $0x100, s20  }
0x29: {  	[tilespmem:s19], [sflag:$0x5] =	stream.indirect_vreg.gather [hbm4b:s1+s3], $0x80, v4, vm0, $0x2000b8;
	[tilespmem:$0x10100] =	vst v63  }
0x2a: {  	s22 =	sor.u32 $0x900, s20  }
0x2b: {  	[tilespmem:s22], [sflag:$0x5] =	stream.indirect_vreg.gather [hbm4b:s1+s3], $0x80, v3, vm0, $0x2000b8;
	[tilespmem:$0x10100] =	vst v63  }
0x2c: {  	v3 =	vld [tilespmem:s21+$0x10];
	_ =	sdelay $0x4  }
0x2d: {  	v57 =	vshll.u32 v3, $0x1  }
0x2e: {  	v3 =	vand.u32 $0x7, v3;
	v4 =	vand.u32 $0xFFFFFFF0, v57  }
0x2f: {  	v3 =	vor.u32 v3, v4  }
0x30: {  	v4 =	vperm.xlane v3, v0;
	_ =	sdelay $0x1  }
0x31: {  	v3 =	vperm.xlane v3, v2;
	v4 =	vadd.s32 v1, v4;
	_ =	sdelay $0x1  }
0x32: {  	v3 =	vadd.s32 v1, v3;
	_ =	sdelay $0x1  }
0x33: {  	s26 =	sor.u32 $0x1100, s20  }
0x34: {  	[tilespmem:s26], [sflag:$0x5] =	stream.indirect_vreg.gather [hbm4b:s1+s3], $0x80, v4, vm0, $0x2000b8;
	[tilespmem:$0x10100] =	vst v63  }
0x35: {  	s28 =	sor.u32 $0x1900, s20  }
0x36: {  	[tilespmem:s28], [sflag:$0x5] =	stream.indirect_vreg.gather [hbm4b:s1+s3], $0x80, v3, vm0, $0x2000b8;
	[tilespmem:$0x10100] =	vst v63  }
0x37: {  	v3 =	vld [tilespmem:s21+$0x20];
	_ =	sdelay $0x4  }
0x38: {  	v58 =	vshll.u32 v3, $0x1  }
0x39: {  	v3 =	vand.u32 $0x7, v3;
	v4 =	vand.u32 $0xFFFFFFF0, v58  }
0x3a: {  	v3 =	vor.u32 v3, v4  }
0x3b: {  	v4 =	vperm.xlane v3, v0;
	_ =	sdelay $0x1  }
0x3c: {  	v3 =	vperm.xlane v3, v2;
	v4 =	vadd.s32 v1, v4;
	_ =	sdelay $0x1  }
0x3d: {  	v3 =	vadd.s32 v1, v3;
	_ =	sdelay $0x1  }
0x3e: {  	s29 =	sor.u32 $0x2100, s20  }
0x3f: {  	[tilespmem:s29], [sflag:$0x5] =	stream.indirect_vreg.gather [hbm4b:s1+s3], $0x80, v4, vm0, $0x2000b8;
	[tilespmem:$0x10100] =	vst v63  }
0x40: {  	s30 =	sor.u32 $0x2900, s20  }
0x41: {  	[tilespmem:s30], [sflag:$0x5] =	stream.indirect_vreg.gather [hbm4b:s1+s3], $0x80, v3, vm0, $0x2000b8;
	[tilespmem:$0x10100] =	vst v63  }
0x42: {  	v3 =	vld [tilespmem:s21+$0x30];
	_ =	sdelay $0x4  }
0x43: {  	v59 =	vshll.u32 v3, $0x1  }
0x44: {  	v3 =	vand.u32 $0x7, v3;
	v4 =	vand.u32 $0xFFFFFFF0, v59  }
0x45: {  	v3 =	vor.u32 v3, v4  }
0x46: {  	v4 =	vperm.xlane v3, v0;
	_ =	sdelay $0x1  }
0x47: {  	v3 =	vperm.xlane v3, v2;
	v4 =	vadd.s32 v1, v4;
	_ =	sdelay $0x1  }
0x48: {  	v3 =	vadd.s32 v1, v3;
	_ =	sdelay $0x1  }
0x49: {  	s31 =	sor.u32 $0x3100, s20  }
0x4a: {  	[tilespmem:s31], [sflag:$0x5] =	stream.indirect_vreg.gather [hbm4b:s1+s3], $0x80, v4, vm0, $0x2000b8;
	[tilespmem:$0x10100] =	vst v63  }
0x4b: {  	s23 =	sor.u32 $0x3900, s20  }
0x4c: {  	[tilespmem:s23], [sflag:$0x5] =	stream.indirect_vreg.gather [hbm4b:s1+s3], $0x80, v3, vm0, $0x2000b8;
	[tilespmem:$0x10100] =	vst v63  }
0x4d: {  	v3 =	vld [tilespmem:s21+$0x40];
	_ =	sdelay $0x4  }
0x4e: {  	v60 =	vshll.u32 v3, $0x1  }
0x4f: {  	v3 =	vand.u32 $0x7, v3;
	v4 =	vand.u32 $0xFFFFFFF0, v60  }
0x50: {  	v3 =	vor.u32 v3, v4  }
0x51: {  	v4 =	vperm.xlane v3, v0;
	_ =	sdelay $0x1  }
0x52: {  	v3 =	vperm.xlane v3, v2;
	v4 =	vadd.s32 v1, v4;
	_ =	sdelay $0x1  }
0x53: {  	v3 =	vadd.s32 v1, v3;
	_ =	sdelay $0x1  }
0x54: {  	s24 =	sor.u32 $0x4100, s20  }
0x55: {  	[tilespmem:s24], [sflag:$0x5] =	stream.indirect_vreg.gather [hbm4b:s1+s3], $0x80, v4, vm0, $0x2000b8;
	[tilespmem:$0x10100] =	vst v63  }
0x56: {  	s25 =	sor.u32 $0x4900, s20  }
0x57: {  	[tilespmem:s25], [sflag:$0x5] =	stream.indirect_vreg.gather [hbm4b:s1+s3], $0x80, v3, vm0, $0x2000b8;
	[tilespmem:$0x10100] =	vst v63  }
0x58: {  	v3 =	vld [tilespmem:s21+$0x50];
	_ =	sdelay $0x4  }
0x59: {  	v61 =	vshll.u32 v3, $0x1  }
0x5a: {  	v3 =	vand.u32 $0x7, v3;
	v4 =	vand.u32 $0xFFFFFFF0, v61  }
0x5b: {  	v3 =	vor.u32 v3, v4  }
0x5c: {  	v4 =	vperm.xlane v3, v0;
	_ =	sdelay $0x1  }
0x5d: {  	v3 =	vperm.xlane v3, v2;
	v4 =	vadd.s32 v1, v4;
	_ =	sdelay $0x1  }
0x5e: {  	v3 =	vadd.s32 v1, v3;
	_ =	sdelay $0x1  }
0x5f: {  	s26 =	sor.u32 $0x5100, s20  }
0x60: {  	[tilespmem:s26], [sflag:$0x5] =	stream.indirect_vreg.gather [hbm4b:s1+s3], $0x80, v4, vm0, $0x2000b8;
	[tilespmem:$0x10100] =	vst v63  }
0x61: {  	s28 =	sor.u32 $0x5900, s20  }
0x62: {  	[tilespmem:s28], [sflag:$0x5] =	stream.indirect_vreg.gather [hbm4b:s1+s3], $0x80, v3, vm0, $0x2000b8;
	[tilespmem:$0x10100] =	vst v63  }
0x63: {  	v3 =	vld [tilespmem:s21+$0x60];
	_ =	sdelay $0x4  }
0x64: {  	v62 =	vshll.u32 v3, $0x1  }
0x65: {  	v3 =	vand.u32 $0x7, v3;
	v4 =	vand.u32 $0xFFFFFFF0, v62  }
0x66: {  	v3 =	vor.u32 v3, v4  }
0x67: {  	v4 =	vperm.xlane v3, v0;
	_ =	sdelay $0x1  }
0x68: {  	v3 =	vperm.xlane v3, v2;
	v4 =	vadd.s32 v1, v4;
	_ =	sdelay $0x1  }
0x69: {  	v3 =	vadd.s32 v1, v3;
	_ =	sdelay $0x1  }
0x6a: {  	s29 =	sor.u32 $0x6100, s20  }
0x6b: {  	[tilespmem:s29], [sflag:$0x5] =	stream.indirect_vreg.gather [hbm4b:s1+s3], $0x80, v4, vm0, $0x2000b8;
	[tilespmem:$0x10100] =	vst v63  }
0x6c: {  	s30 =	sor.u32 $0x6900, s20  }
0x6d: {  	[tilespmem:s30], [sflag:$0x5] =	stream.indirect_vreg.gather [hbm4b:s1+s3], $0x80, v3, vm0, $0x2000b8;
	[tilespmem:$0x10100] =	vst v63  }
0x6e: {  	v3 =	vld [tilespmem:s21+$0x70];
	_ =	sdelay $0x4  }
0x6f: {  	v63 =	vshll.u32 v3, $0x1  }
0x70: {  	v3 =	vand.u32 $0x7, v3;
	v4 =	vand.u32 $0xFFFFFFF0, v63  }
0x71: {  	v3 =	vor.u32 v3, v4  }
0x72: {  	v4 =	vperm.xlane v3, v0;
	_ =	sdelay $0x1  }
0x73: {  	v3 =	vperm.xlane v3, v2;
	v4 =	vadd.s32 v1, v4;
	_ =	sdelay $0x1  }
0x74: {  	v3 =	vadd.s32 v1, v3;
	_ =	sdelay $0x1  }
0x75: {  	s31 =	sor.u32 $0x7100, s20  }
0x76: {  	[tilespmem:s31], [sflag:$0x5] =	stream.indirect_vreg.gather [hbm4b:s1+s3], $0x80, v4, vm0, $0x2000b8;
	[tilespmem:$0x10100] =	vst v63  }
0x77: {  	s20 =	sor.u32 $0x7900, s20  }
0x78: {  	[tilespmem:s20], [sflag:$0x5] =	stream.indirect_vreg.gather [hbm4b:s1+s3], $0x80, v3, vm0, $0x2000b8;
	[tilespmem:$0x10100] =	vst v63  }
0x79: {  	_ =	swait.ge [sflag:s8], $0x8000  }
0x7a: {  	p2 =	seq.s32 s11, $0x0;
	[sflag:s8] =	ssyncset.done $0x0  }
0x7b: {  	s17 =	sadd.s32 s5, s17;
	p1 =	por p2, p1;
	[sflag:s8] =	ssyncadd.s32 $0xFFFF8000  }
0x7c: {  	s17 =	sshll.u32 @p1 s17, $0xC;
	_ =	strace $0x9000004B  }
0x7d: {  	s17 =	sand.u32 @p1 $0x1FFFF000, s17;
	s21 =	simm.s32 $0x1;
	_ =	strace @p1 $0x8000004C  }
0x7e: {  	s18 =	sadd.s32 @p1 $0x3, s18;
	s21 =	simm.s32 @!p0 $0x0;
	s20 =	rddreg [dreg:$0x4]  }
0x7f: {  	p0 =	seq.s32 s11, $0x8;
	s17 =	sadd.s32 @p1 s20, s17;
	s20 =	simm.s32 @p1 $0x0  }
0x80: {  	[hbm4b:s17+s20] =	stream.linear.scatter @p1 [tilespmem:s19], [sflag:s18], $0x8000, $0x200038;
	[tilespmem:$0x10100] =	vst v63  }
0x81: {  	s17 =	simm.s32 $0x1;
	s19 =	simm.s32 $0x1;
	_ =	strace @p1 $0x9000004C  }
0x82: {  	s17 =	simm.s32 @!p1 $0x0;
	p1 =	sne.s32 s11, $0x8;
	s11 =	sadd.s32 $0xFFFFFFFF, s11  }
0x83: {  	s18 =	sand.u32 @!p0 $0x1, s13;
	s19 =	simm.s32 @!p1 $0x0;
	p1 =	sne.s32 s11, $0xFFFFFFFF  }
.Ltmp0:
0x84: {  	s18 =	sadd.s32 @!p0 $0x3, s18;
	_ =	strace @!p0 $0x8000004D;
	(pc) =	sbr.rel @p1 .LBB2_2-.Ltmp0, $4  }
0x85: {  	_ =	swait.ge @!p0 [sflag:s18], $0x8000  }
0x86: {  	[sflag:s18] =	ssyncset.done @!p0 $0x0  }
0x87: {  	s16 =	sadd.s32 s21, s16;
	s14 =	sadd.s32 s17, s14;
	[sflag:s18] =	ssyncadd.s32 @!p0 $0xFFFF8000  }
0x88: {  	s15 =	sadd.s32 s17, s15;
	s13 =	sadd.s32 s19, s13;
	_ =	strace @!p0 $0x9000004D  }
0x89: {  	s10 =	sadd.s32 $0x1, s10  }
0x8a: {  	p0 =	sne.s32 s10, s7  }
.Ltmp1:
0x8b: {  	_ =	strace $0x8000004E;
	(pc) =	sbr.rel @p0 .LBB2_1-.Ltmp1, $4  }
0x8c: {  	_ =	swait.ge [sflag:s9], $0x8000  }
0x8d: {  	[sflag:s9] =	ssyncset.done $0x0  }
0x8e: {  	[sflag:s9] =	ssyncadd.s32 $0xFFFF8000  }
0x8f: {  	_ =	strace $0x9000004E  }
0x90: {  	_ =	sfence.sel $0x180000  }
0x91: {  	[bflag:$0x0] =	sbarrier.arrive $0xFFFF  }
0x92: {  	p0 =	sne.s32 s2, $0x0;
	_ =	strace $0x90000047  }
0x93: {  	s0 =	sadd.s32 @!p0 $0x100000, s0;
	[bflag:$0x2] =	sbarrier.arrive $0xFFFF  }
0x94: {  	[sflag:s0] =	ssyncadd.tile.s32 @!p0 $0x1;
	_ =	shalt  }
.Lfunc_end2:
_tile_overlayer_lowered:
.L_overlay_start_2:
0x95: {  	(tag) =	ssettag $0x2  }
0x96: {  	s0 =	rddreg [dreg:$0x0];
	s2 =	stileid.u32  }
0x97: {  	s1 =	rddreg [dreg:$0x1];
	p0 =	sne.s32 s2, $0x0  }
0x98: {  	s3 =	rddreg [dreg:$0x2];
	[bflag:$0x3] =	sbarrier.arrive $0xFFFF;
	s2 =	simm.s32 @!p0 $0x1C01  }
0x99: {  	[timem:s3], [sflag:s2] =	dma.local @!p0 [hbm:s0], s1  }
0x9a: {  	s0 =	simm.s32 @!p0 $0x1  }
0x9b: {  	_ =	swait.ge @!p0 [sflag:s0], s1  }
0x9c: {  	s1 =	ssub.s32 @!p0 $0x0, s1;
	[sflag:s0] =	ssyncset.done @!p0 $0x0  }
0x9d: {  	[sflag:s0] =	ssyncadd.s32 @!p0 s1  }
0x9e: {  	[bflag:$0x3] =	sbarrier.arrive $0xFFFF  }
0x9f: {  	_ =	shalt  }

</sc_bundles>
